<compile_context>
chip_gen: v7x
topology: tpu7x:2x2x1
jax: 0.10.2.dev20260603
libtpu: 0.0.44.dev20260713+nightly
codegen_flags: <defaults>
</compile_context>

<pallas_src>
import jax
import jax.numpy as jnp
from jax import lax
from jax.experimental import pallas as pl
from jax.experimental.pallas import tpu as pltpu

_NUM, _P, _C = 32, 8732, 21
_Q = _P // 4
_PBQ = 1096
_NBLK = 2


def _body(prior_ref,
          lm1, lv1, lp1, lm2, lv2, lp2, lm3, lv3, lp3, lm4, lv4, lp4,
          cm1, cv1, cp1, cm2, cv2, cp2, cm3, cv3, cp3, cm4, cv4, cp4,
          out_ref):
    m1, m2, m3, m4 = lm1[0], lm2[0], lm3[0], lm4[0]
    w1, w2, w3, w4 = lp1[0], lp2[0], lp3[0], lp4[0]
    s1, s2, s3, s4 = lv1[0], lv2[0], lv3[0], lv4[0]
    nl = w1 * m1 + w2 * m2 + w3 * m3 + w4 * m4
    al = w1 * s1 + w2 * s2 + w3 * s3 + w4 * s4
    ep = (w1 * (m1 - nl) ** 2 + w2 * (m2 - nl) ** 2
          + w3 * (m3 - nl) ** 2 + w4 * (m4 - nl) ** 2)

    a1, a2, a3, a4 = cm1[0], cm2[0], cm3[0], cm4[0]
    q1, q2, q3, q4 = cp1[0], cp2[0], cp3[0], cp4[0]
    t1, t2, t3, t4 = cv1[0], cv2[0], cv3[0], cv4[0]
    nc = q1 * a1 + q2 * a2 + q3 * a3 + q4 * a4
    ca = q1 * t1 + q2 * t2 + q3 * t3 + q4 * t4
    ce = (q1 * (a1 - nc) ** 2 + q2 * (a2 - nc) ** 2
          + q3 * (a3 - nc) ** 2 + q4 * (a4 - nc) ** 2)

    pr = prior_ref[...]
    prw = jnp.roll(pr, -2, axis=-1)
    nlw = jnp.roll(nl, -2, axis=-1)
    wh = prw * jnp.exp(nlw * 0.2)
    x1y1 = pr + nl * 0.1 * prw - 0.5 * wh
    x2y2 = jnp.roll(x1y1 + wh, 2, axis=-1)
    c_idx = lax.broadcasted_iota(jnp.int32, nl.shape, 1) % 4
    dec = jnp.where(c_idx < 2, x1y1, x2y2)

    for i in range(4):
        o = 75 * i
        out_ref[0, :, o:o + 4] = dec[:, 4 * i:4 * i + 4]
        out_ref[0, :, o + 4:o + 8] = al[:, 4 * i:4 * i + 4]
        out_ref[0, :, o + 8:o + 12] = ep[:, 4 * i:4 * i + 4]
        out_ref[0, :, o + 12:o + 33] = nc[:, 21 * i:21 * i + 21]
        out_ref[0, :, o + 33:o + 54] = ca[:, 21 * i:21 * i + 21]
        out_ref[0, :, o + 54:o + 75] = ce[:, 21 * i:21 * i + 21]


def kernel(prior_data, loc_mu_1, loc_var_1, loc_pi_1, loc_mu_2, loc_var_2,
           loc_pi_2, loc_mu_3, loc_var_3, loc_pi_3, loc_mu_4, loc_var_4,
           loc_pi_4, conf_mu_1, conf_var_1, conf_pi_1, conf_mu_2, conf_var_2,
           conf_pi_2, conf_mu_3, conf_var_3, conf_pi_3, conf_mu_4, conf_var_4,
           conf_pi_4):
    locs = [loc_mu_1, loc_var_1, loc_pi_1, loc_mu_2, loc_var_2, loc_pi_2,
            loc_mu_3, loc_var_3, loc_pi_3, loc_mu_4, loc_var_4, loc_pi_4]
    confs = [conf_mu_1, conf_var_1, conf_pi_1, conf_mu_2, conf_var_2,
             conf_pi_2, conf_mu_3, conf_var_3, conf_pi_3, conf_mu_4,
             conf_var_4, conf_pi_4]
    locs = [x.reshape(_NUM, _Q, 16) for x in locs]
    confs = [x.reshape(_NUM, _Q, 4 * _C) for x in confs]
    prior_q = prior_data.reshape(_Q, 16)

    loc_spec = pl.BlockSpec((1, _PBQ, 16), lambda n, j: (n, j, 0))
    conf_spec = pl.BlockSpec((1, _PBQ, 4 * _C), lambda n, j: (n, j, 0))
    prior_spec = pl.BlockSpec((_PBQ, 16), lambda n, j: (j, 0))
    out = pl.pallas_call(
        _body,
        grid=(_NUM, _NBLK),
        in_specs=[prior_spec] + [loc_spec] * 12 + [conf_spec] * 12,
        out_specs=pl.BlockSpec((1, _PBQ, 300), lambda n, j: (n, j, 0)),
        out_shape=jax.ShapeDtypeStruct((_NUM, _Q, 300), jnp.float32),
        compiler_params=pltpu.CompilerParams(
            dimension_semantics=("parallel", "arbitrary")),
    )(prior_q, *locs, *confs)
    return out.reshape(_NUM, _P, 75)

# --- scband reference (transcript-rebuilt; emitter-appended) ---
"""Pipeline reference for scband-ssd-gmm-86517821215618 (READ-ONLY COPY).

The authoritative reference and input builder live on the scoring server;
editing this copy changes nothing except your own understanding.
"""

import jax, jax.numpy as jnp
import numpy as np

NUM, P, C = 32, 8732, 21


def setup_inputs(seed: int = 0) -> dict:
    key = jax.random.key(seed)
    inp = {}
    inp["prior_data"] = jax.random.uniform(jax.random.fold_in(key, 0), (P, 4), dtype=jnp.float32)
    i = 1
    for g in range(1, 5):
        inp[f"loc_mu_{g}"] = jax.random.normal(jax.random.fold_in(key, i), (NUM, P, 4), dtype=jnp.float32); i += 1
        inp[f"loc_var_{g}"] = jax.random.uniform(jax.random.fold_in(key, i), (NUM, P, 4), dtype=jnp.float32); i += 1
        inp[f"loc_pi_{g}"] = jax.random.uniform(jax.random.fold_in(key, i), (NUM, P, 4), dtype=jnp.float32); i += 1
    for g in range(1, 5):
        inp[f"conf_mu_{g}"] = jax.random.uniform(jax.random.fold_in(key, i), (NUM, P, C), dtype=jnp.float32); i += 1
        inp[f"conf_var_{g}"] = jax.random.uniform(jax.random.fold_in(key, i), (NUM, P, C), dtype=jnp.float32); i += 1
        inp[f"conf_pi_{g}"] = jax.random.uniform(jax.random.fold_in(key, i), (NUM, P, C), dtype=jnp.float32); i += 1
    return inp


def reference(prior_data, loc_mu_1, loc_var_1, loc_pi_1, loc_mu_2, loc_var_2, loc_pi_2,
              loc_mu_3, loc_var_3, loc_pi_3, loc_mu_4, loc_var_4, loc_pi_4,
              conf_mu_1, conf_var_1, conf_pi_1, conf_mu_2, conf_var_2, conf_pi_2,
              conf_mu_3, conf_var_3, conf_pi_3, conf_mu_4, conf_var_4, conf_pi_4):
    v0, v1 = 0.1, 0.2
    # GMM fusion of localization heads
    new_loc = loc_pi_1 * loc_mu_1 + loc_pi_2 * loc_mu_2 + loc_pi_3 * loc_mu_3 + loc_pi_4 * loc_mu_4
    al_uc = loc_pi_1 * loc_var_1 + loc_pi_2 * loc_var_2 + loc_pi_3 * loc_var_3 + loc_pi_4 * loc_var_4
    ep_uc = (loc_pi_1 * (loc_mu_1 - new_loc) ** 2 + loc_pi_2 * (loc_mu_2 - new_loc) ** 2
             + loc_pi_3 * (loc_mu_3 - new_loc) ** 2 + loc_pi_4 * (loc_mu_4 - new_loc) ** 2)
    # GMM fusion of confidence heads
    new_conf = conf_pi_1 * conf_mu_1 + conf_pi_2 * conf_mu_2 + conf_pi_3 * conf_mu_3 + conf_pi_4 * conf_mu_4
    cls_al_uc = conf_pi_1 * conf_var_1 + conf_pi_2 * conf_var_2 + conf_pi_3 * conf_var_3 + conf_pi_4 * conf_var_4
    cls_ep_uc = (conf_pi_1 * (conf_mu_1 - new_conf) ** 2 + conf_pi_2 * (conf_mu_2 - new_conf) ** 2
                 + conf_pi_3 * (conf_mu_3 - new_conf) ** 2 + conf_pi_4 * (conf_mu_4 - new_conf) ** 2)
    new_conf = new_conf.reshape(NUM, P, C)
    cls_al_uc = cls_al_uc.reshape(NUM, P, C)
    cls_ep_uc = cls_ep_uc.reshape(NUM, P, C)
    # decode (broadcast over batch): center-offset -> corner form
    cxcy = prior_data[:, :2] + new_loc[..., :2] * v0 * prior_data[:, 2:]
    wh = prior_data[:, 2:] * jnp.exp(new_loc[..., 2:] * v1)
    x1y1 = cxcy - wh / 2.0
    x2y2 = x1y1 + wh
    decoded = jnp.concatenate([x1y1, x2y2], axis=-1)
    return jnp.concatenate([decoded, al_uc, ep_uc, new_conf, cls_al_uc, cls_ep_uc], axis=-1)

if __name__ == "__main__":
    import jax
    _d = setup_inputs()
    print(jax.jit(kernel)(*tuple(_d.values())))

</pallas_src>

<mosaic_0001>
module attributes {stable_mosaic.version = 14 : i64} {
  func.func @_body(%arg0: i32, %arg1: i32, %arg2: memref<1096x16xf32, #tpu.memory_space<vmem>>, %arg3: memref<1x1096x16xf32, #tpu.memory_space<vmem>>, %arg4: memref<1x1096x16xf32, #tpu.memory_space<vmem>>, %arg5: memref<1x1096x16xf32, #tpu.memory_space<vmem>>, %arg6: memref<1x1096x16xf32, #tpu.memory_space<vmem>>, %arg7: memref<1x1096x16xf32, #tpu.memory_space<vmem>>, %arg8: memref<1x1096x16xf32, #tpu.memory_space<vmem>>, %arg9: memref<1x1096x16xf32, #tpu.memory_space<vmem>>, %arg10: memref<1x1096x16xf32, #tpu.memory_space<vmem>>, %arg11: memref<1x1096x16xf32, #tpu.memory_space<vmem>>, %arg12: memref<1x1096x16xf32, #tpu.memory_space<vmem>>, %arg13: memref<1x1096x16xf32, #tpu.memory_space<vmem>>, %arg14: memref<1x1096x16xf32, #tpu.memory_space<vmem>>, %arg15: memref<1x1096x84xf32, #tpu.memory_space<vmem>>, %arg16: memref<1x1096x84xf32, #tpu.memory_space<vmem>>, %arg17: memref<1x1096x84xf32, #tpu.memory_space<vmem>>, %arg18: memref<1x1096x84xf32, #tpu.memory_space<vmem>>, %arg19: memref<1x1096x84xf32, #tpu.memory_space<vmem>>, %arg20: memref<1x1096x84xf32, #tpu.memory_space<vmem>>, %arg21: memref<1x1096x84xf32, #tpu.memory_space<vmem>>, %arg22: memref<1x1096x84xf32, #tpu.memory_space<vmem>>, %arg23: memref<1x1096x84xf32, #tpu.memory_space<vmem>>, %arg24: memref<1x1096x84xf32, #tpu.memory_space<vmem>>, %arg25: memref<1x1096x84xf32, #tpu.memory_space<vmem>>, %arg26: memref<1x1096x84xf32, #tpu.memory_space<vmem>>, %arg27: memref<1x1096x300xf32, #tpu.memory_space<vmem>>) attributes {dimension_semantics = [#tpu.dimension_semantics<parallel>, #tpu.dimension_semantics<arbitrary>], iteration_bounds = array<i64: 32, 2>, scalar_prefetch = 0 : i64, scratch_operands = 0 : i64, tpu.core_type = #tpu.core_type<tc>, window_params = [{transform_indices = @transform_0, window_bounds = array<i64: 1096, 16>}, {transform_indices = @transform_1, window_bounds = array<i64: 1, 1096, 16>}, {transform_indices = @transform_2, window_bounds = array<i64: 1, 1096, 16>}, {transform_indices = @transform_3, window_bounds = array<i64: 1, 1096, 16>}, {transform_indices = @transform_4, window_bounds = array<i64: 1, 1096, 16>}, {transform_indices = @transform_5, window_bounds = array<i64: 1, 1096, 16>}, {transform_indices = @transform_6, window_bounds = array<i64: 1, 1096, 16>}, {transform_indices = @transform_7, window_bounds = array<i64: 1, 1096, 16>}, {transform_indices = @transform_8, window_bounds = array<i64: 1, 1096, 16>}, {transform_indices = @transform_9, window_bounds = array<i64: 1, 1096, 16>}, {transform_indices = @transform_10, window_bounds = array<i64: 1, 1096, 16>}, {transform_indices = @transform_11, window_bounds = array<i64: 1, 1096, 16>}, {transform_indices = @transform_12, window_bounds = array<i64: 1, 1096, 16>}, {transform_indices = @transform_13, window_bounds = array<i64: 1, 1096, 84>}, {transform_indices = @transform_14, window_bounds = array<i64: 1, 1096, 84>}, {transform_indices = @transform_15, window_bounds = array<i64: 1, 1096, 84>}, {transform_indices = @transform_16, window_bounds = array<i64: 1, 1096, 84>}, {transform_indices = @transform_17, window_bounds = array<i64: 1, 1096, 84>}, {transform_indices = @transform_18, window_bounds = array<i64: 1, 1096, 84>}, {transform_indices = @transform_19, window_bounds = array<i64: 1, 1096, 84>}, {transform_indices = @transform_20, window_bounds = array<i64: 1, 1096, 84>}, {transform_indices = @transform_21, window_bounds = array<i64: 1, 1096, 84>}, {transform_indices = @transform_22, window_bounds = array<i64: 1, 1096, 84>}, {transform_indices = @transform_23, window_bounds = array<i64: 1, 1096, 84>}, {transform_indices = @transform_24, window_bounds = array<i64: 1, 1096, 84>}, {transform_indices = @transform_25, window_bounds = array<i64: 1, 1096, 300>}]} {
    %get3A = arith.constant 0 : index
    %get3A_0 = arith.constant 0 : index
    %get3A_1 = arith.constant 0 : index
    %get3A_2 = vector.load %arg3[%get3A, %get3A_0, %get3A_1] : memref<1x1096x16xf32, #tpu.memory_space<vmem>>, vector<1x1096x16xf32>
    %get3A_3 = vector.shape_cast %get3A_2 : vector<1x1096x16xf32> to vector<1096x16xf32>
    %get3A_4 = arith.constant 0 : index
    %get3A_5 = arith.constant 0 : index
    %get3A_6 = arith.constant 0 : index
    %get3A_7 = vector.load %arg6[%get3A_4, %get3A_5, %get3A_6] : memref<1x1096x16xf32, #tpu.memory_space<vmem>>, vector<1x1096x16xf32>
    %get3A_8 = vector.shape_cast %get3A_7 : vector<1x1096x16xf32> to vector<1096x16xf32>
    %get3A_9 = arith.constant 0 : index
    %get3A_10 = arith.constant 0 : index
    %get3A_11 = arith.constant 0 : index
    %get3A_12 = vector.load %arg9[%get3A_9, %get3A_10, %get3A_11] : memref<1x1096x16xf32, #tpu.memory_space<vmem>>, vector<1x1096x16xf32>
    %get3A_13 = vector.shape_cast %get3A_12 : vector<1x1096x16xf32> to vector<1096x16xf32>
    %get3A_14 = arith.constant 0 : index
    %get3A_15 = arith.constant 0 : index
    %get3A_16 = arith.constant 0 : index
    %get3A_17 = vector.load %arg12[%get3A_14, %get3A_15, %get3A_16] : memref<1x1096x16xf32, #tpu.memory_space<vmem>>, vector<1x1096x16xf32>
    %get3A_18 = vector.shape_cast %get3A_17 : vector<1x1096x16xf32> to vector<1096x16xf32>
    %get3A_19 = arith.constant 0 : index
    %get3A_20 = arith.constant 0 : index
    %get3A_21 = arith.constant 0 : index
    %get3A_22 = vector.load %arg5[%get3A_19, %get3A_20, %get3A_21] : memref<1x1096x16xf32, #tpu.memory_space<vmem>>, vector<1x1096x16xf32>
    %get3A_23 = vector.shape_cast %get3A_22 : vector<1x1096x16xf32> to vector<1096x16xf32>
    %get3A_24 = arith.constant 0 : index
    %get3A_25 = arith.constant 0 : index
    %get3A_26 = arith.constant 0 : index
    %get3A_27 = vector.load %arg8[%get3A_24, %get3A_25, %get3A_26] : memref<1x1096x16xf32, #tpu.memory_space<vmem>>, vector<1x1096x16xf32>
    %get3A_28 = vector.shape_cast %get3A_27 : vector<1x1096x16xf32> to vector<1096x16xf32>
    %get3A_29 = arith.constant 0 : index
    %get3A_30 = arith.constant 0 : index
    %get3A_31 = arith.constant 0 : index
    %get3A_32 = vector.load %arg11[%get3A_29, %get3A_30, %get3A_31] : memref<1x1096x16xf32, #tpu.memory_space<vmem>>, vector<1x1096x16xf32>
    %get3A_33 = vector.shape_cast %get3A_32 : vector<1x1096x16xf32> to vector<1096x16xf32>
    %get3A_34 = arith.constant 0 : index
    %get3A_35 = arith.constant 0 : index
    %get3A_36 = arith.constant 0 : index
    %get3A_37 = vector.load %arg14[%get3A_34, %get3A_35, %get3A_36] : memref<1x1096x16xf32, #tpu.memory_space<vmem>>, vector<1x1096x16xf32>
    %get3A_38 = vector.shape_cast %get3A_37 : vector<1x1096x16xf32> to vector<1096x16xf32>
    %get3A_39 = arith.constant 0 : index
    %get3A_40 = arith.constant 0 : index
    %get3A_41 = arith.constant 0 : index
    %get3A_42 = vector.load %arg4[%get3A_39, %get3A_40, %get3A_41] : memref<1x1096x16xf32, #tpu.memory_space<vmem>>, vector<1x1096x16xf32>
    %get3A_43 = vector.shape_cast %get3A_42 : vector<1x1096x16xf32> to vector<1096x16xf32>
    %get3A_44 = arith.constant 0 : index
    %get3A_45 = arith.constant 0 : index
    %get3A_46 = arith.constant 0 : index
    %get3A_47 = vector.load %arg7[%get3A_44, %get3A_45, %get3A_46] : memref<1x1096x16xf32, #tpu.memory_space<vmem>>, vector<1x1096x16xf32>
    %get3A_48 = vector.shape_cast %get3A_47 : vector<1x1096x16xf32> to vector<1096x16xf32>
    %get3A_49 = arith.constant 0 : index
    %get3A_50 = arith.constant 0 : index
    %get3A_51 = arith.constant 0 : index
    %get3A_52 = vector.load %arg10[%get3A_49, %get3A_50, %get3A_51] : memref<1x1096x16xf32, #tpu.memory_space<vmem>>, vector<1x1096x16xf32>
    %get3A_53 = vector.shape_cast %get3A_52 : vector<1x1096x16xf32> to vector<1096x16xf32>
    %get3A_54 = arith.constant 0 : index
    %get3A_55 = arith.constant 0 : index
    %get3A_56 = arith.constant 0 : index
    %get3A_57 = vector.load %arg13[%get3A_54, %get3A_55, %get3A_56] : memref<1x1096x16xf32, #tpu.memory_space<vmem>>, vector<1x1096x16xf32>
    %get3A_58 = vector.shape_cast %get3A_57 : vector<1x1096x16xf32> to vector<1096x16xf32>
    %mul3A = arith.mulf %get3A_23, %get3A_3 : vector<1096x16xf32>
    %mul3A_59 = arith.mulf %get3A_28, %get3A_8 : vector<1096x16xf32>
    %add3A = arith.addf %mul3A, %mul3A_59 : vector<1096x16xf32>
    %mul3A_60 = arith.mulf %get3A_33, %get3A_13 : vector<1096x16xf32>
    %add3A_61 = arith.addf %add3A, %mul3A_60 : vector<1096x16xf32>
    %mul3A_62 = arith.mulf %get3A_38, %get3A_18 : vector<1096x16xf32>
    %add3A_63 = arith.addf %add3A_61, %mul3A_62 : vector<1096x16xf32>
    %mul3A_64 = arith.mulf %get3A_23, %get3A_43 : vector<1096x16xf32>
    %mul3A_65 = arith.mulf %get3A_28, %get3A_48 : vector<1096x16xf32>
    %add3A_66 = arith.addf %mul3A_64, %mul3A_65 : vector<1096x16xf32>
    %mul3A_67 = arith.mulf %get3A_33, %get3A_53 : vector<1096x16xf32>
    %add3A_68 = arith.addf %add3A_66, %mul3A_67 : vector<1096x16xf32>
    %mul3A_69 = arith.mulf %get3A_38, %get3A_58 : vector<1096x16xf32>
    %add3A_70 = arith.addf %add3A_68, %mul3A_69 : vector<1096x16xf32>
    %sub3A = arith.subf %get3A_3, %add3A_63 : vector<1096x16xf32>
    %integer_pow3A = arith.mulf %sub3A, %sub3A : vector<1096x16xf32>
    %mul3A_71 = arith.mulf %get3A_23, %integer_pow3A : vector<1096x16xf32>
    %sub3A_72 = arith.subf %get3A_8, %add3A_63 : vector<1096x16xf32>
    %integer_pow3A_73 = arith.mulf %sub3A_72, %sub3A_72 : vector<1096x16xf32>
    %mul3A_74 = arith.mulf %get3A_28, %integer_pow3A_73 : vector<1096x16xf32>
    %add3A_75 = arith.addf %mul3A_71, %mul3A_74 : vector<1096x16xf32>
    %sub3A_76 = arith.subf %get3A_13, %add3A_63 : vector<1096x16xf32>
    %integer_pow3A_77 = arith.mulf %sub3A_76, %sub3A_76 : vector<1096x16xf32>
    %mul3A_78 = arith.mulf %get3A_33, %integer_pow3A_77 : vector<1096x16xf32>
    %add3A_79 = arith.addf %add3A_75, %mul3A_78 : vector<1096x16xf32>
    %sub3A_80 = arith.subf %get3A_18, %add3A_63 : vector<1096x16xf32>
    %integer_pow3A_81 = arith.mulf %sub3A_80, %sub3A_80 : vector<1096x16xf32>
    %mul3A_82 = arith.mulf %get3A_38, %integer_pow3A_81 : vector<1096x16xf32>
    %add3A_83 = arith.addf %add3A_79, %mul3A_82 : vector<1096x16xf32>
    %get3A_84 = arith.constant 0 : index
    %get3A_85 = arith.constant 0 : index
    %get3A_86 = arith.constant 0 : index
    %get3A_87 = vector.load %arg15[%get3A_84, %get3A_85, %get3A_86] : memref<1x1096x84xf32, #tpu.memory_space<vmem>>, vector<1x1096x84xf32>
    %get3A_88 = vector.shape_cast %get3A_87 : vector<1x1096x84xf32> to vector<1096x84xf32>
    %get3A_89 = arith.constant 0 : index
    %get3A_90 = arith.constant 0 : index
    %get3A_91 = arith.constant 0 : index
    %get3A_92 = vector.load %arg18[%get3A_89, %get3A_90, %get3A_91] : memref<1x1096x84xf32, #tpu.memory_space<vmem>>, vector<1x1096x84xf32>
    %get3A_93 = vector.shape_cast %get3A_92 : vector<1x1096x84xf32> to vector<1096x84xf32>
    %get3A_94 = arith.constant 0 : index
    %get3A_95 = arith.constant 0 : index
    %get3A_96 = arith.constant 0 : index
    %get3A_97 = vector.load %arg21[%get3A_94, %get3A_95, %get3A_96] : memref<1x1096x84xf32, #tpu.memory_space<vmem>>, vector<1x1096x84xf32>
    %get3A_98 = vector.shape_cast %get3A_97 : vector<1x1096x84xf32> to vector<1096x84xf32>
    %get3A_99 = arith.constant 0 : index
    %get3A_100 = arith.constant 0 : index
    %get3A_101 = arith.constant 0 : index
    %get3A_102 = vector.load %arg24[%get3A_99, %get3A_100, %get3A_101] : memref<1x1096x84xf32, #tpu.memory_space<vmem>>, vector<1x1096x84xf32>
    %get3A_103 = vector.shape_cast %get3A_102 : vector<1x1096x84xf32> to vector<1096x84xf32>
    %get3A_104 = arith.constant 0 : index
    %get3A_105 = arith.constant 0 : index
    %get3A_106 = arith.constant 0 : index
    %get3A_107 = vector.load %arg17[%get3A_104, %get3A_105, %get3A_106] : memref<1x1096x84xf32, #tpu.memory_space<vmem>>, vector<1x1096x84xf32>
    %get3A_108 = vector.shape_cast %get3A_107 : vector<1x1096x84xf32> to vector<1096x84xf32>
    %get3A_109 = arith.constant 0 : index
    %get3A_110 = arith.constant 0 : index
    %get3A_111 = arith.constant 0 : index
    %get3A_112 = vector.load %arg20[%get3A_109, %get3A_110, %get3A_111] : memref<1x1096x84xf32, #tpu.memory_space<vmem>>, vector<1x1096x84xf32>
    %get3A_113 = vector.shape_cast %get3A_112 : vector<1x1096x84xf32> to vector<1096x84xf32>
    %get3A_114 = arith.constant 0 : index
    %get3A_115 = arith.constant 0 : index
    %get3A_116 = arith.constant 0 : index
    %get3A_117 = vector.load %arg23[%get3A_114, %get3A_115, %get3A_116] : memref<1x1096x84xf32, #tpu.memory_space<vmem>>, vector<1x1096x84xf32>
    %get3A_118 = vector.shape_cast %get3A_117 : vector<1x1096x84xf32> to vector<1096x84xf32>
    %get3A_119 = arith.constant 0 : index
    %get3A_120 = arith.constant 0 : index
    %get3A_121 = arith.constant 0 : index
    %get3A_122 = vector.load %arg26[%get3A_119, %get3A_120, %get3A_121] : memref<1x1096x84xf32, #tpu.memory_space<vmem>>, vector<1x1096x84xf32>
    %get3A_123 = vector.shape_cast %get3A_122 : vector<1x1096x84xf32> to vector<1096x84xf32>
    %get3A_124 = arith.constant 0 : index
    %get3A_125 = arith.constant 0 : index
    %get3A_126 = arith.constant 0 : index
    %get3A_127 = vector.load %arg16[%get3A_124, %get3A_125, %get3A_126] : memref<1x1096x84xf32, #tpu.memory_space<vmem>>, vector<1x1096x84xf32>
    %get3A_128 = vector.shape_cast %get3A_127 : vector<1x1096x84xf32> to vector<1096x84xf32>
    %get3A_129 = arith.constant 0 : index
    %get3A_130 = arith.constant 0 : index
    %get3A_131 = arith.constant 0 : index
    %get3A_132 = vector.load %arg19[%get3A_129, %get3A_130, %get3A_131] : memref<1x1096x84xf32, #tpu.memory_space<vmem>>, vector<1x1096x84xf32>
    %get3A_133 = vector.shape_cast %get3A_132 : vector<1x1096x84xf32> to vector<1096x84xf32>
    %get3A_134 = arith.constant 0 : index
    %get3A_135 = arith.constant 0 : index
    %get3A_136 = arith.constant 0 : index
    %get3A_137 = vector.load %arg22[%get3A_134, %get3A_135, %get3A_136] : memref<1x1096x84xf32, #tpu.memory_space<vmem>>, vector<1x1096x84xf32>
    %get3A_138 = vector.shape_cast %get3A_137 : vector<1x1096x84xf32> to vector<1096x84xf32>
    %get3A_139 = arith.constant 0 : index
    %get3A_140 = arith.constant 0 : index
    %get3A_141 = arith.constant 0 : index
    %get3A_142 = vector.load %arg25[%get3A_139, %get3A_140, %get3A_141] : memref<1x1096x84xf32, #tpu.memory_space<vmem>>, vector<1x1096x84xf32>
    %get3A_143 = vector.shape_cast %get3A_142 : vector<1x1096x84xf32> to vector<1096x84xf32>
    %mul3A_144 = arith.mulf %get3A_108, %get3A_88 : vector<1096x84xf32>
    %mul3A_145 = arith.mulf %get3A_113, %get3A_93 : vector<1096x84xf32>
    %add3A_146 = arith.addf %mul3A_144, %mul3A_145 : vector<1096x84xf32>
    %mul3A_147 = arith.mulf %get3A_118, %get3A_98 : vector<1096x84xf32>
    %add3A_148 = arith.addf %add3A_146, %mul3A_147 : vector<1096x84xf32>
    %mul3A_149 = arith.mulf %get3A_123, %get3A_103 : vector<1096x84xf32>
    %add3A_150 = arith.addf %add3A_148, %mul3A_149 : vector<1096x84xf32>
    %mul3A_151 = arith.mulf %get3A_108, %get3A_128 : vector<1096x84xf32>
    %mul3A_152 = arith.mulf %get3A_113, %get3A_133 : vector<1096x84xf32>
    %add3A_153 = arith.addf %mul3A_151, %mul3A_152 : vector<1096x84xf32>
    %mul3A_154 = arith.mulf %get3A_118, %get3A_138 : vector<1096x84xf32>
    %add3A_155 = arith.addf %add3A_153, %mul3A_154 : vector<1096x84xf32>
    %mul3A_156 = arith.mulf %get3A_123, %get3A_143 : vector<1096x84xf32>
    %add3A_157 = arith.addf %add3A_155, %mul3A_156 : vector<1096x84xf32>
    %sub3A_158 = arith.subf %get3A_88, %add3A_150 : vector<1096x84xf32>
    %integer_pow3A_159 = arith.mulf %sub3A_158, %sub3A_158 : vector<1096x84xf32>
    %mul3A_160 = arith.mulf %get3A_108, %integer_pow3A_159 : vector<1096x84xf32>
    %sub3A_161 = arith.subf %get3A_93, %add3A_150 : vector<1096x84xf32>
    %integer_pow3A_162 = arith.mulf %sub3A_161, %sub3A_161 : vector<1096x84xf32>
    %mul3A_163 = arith.mulf %get3A_113, %integer_pow3A_162 : vector<1096x84xf32>
    %add3A_164 = arith.addf %mul3A_160, %mul3A_163 : vector<1096x84xf32>
    %sub3A_165 = arith.subf %get3A_98, %add3A_150 : vector<1096x84xf32>
    %integer_pow3A_166 = arith.mulf %sub3A_165, %sub3A_165 : vector<1096x84xf32>
    %mul3A_167 = arith.mulf %get3A_118, %integer_pow3A_166 : vector<1096x84xf32>
    %add3A_168 = arith.addf %add3A_164, %mul3A_167 : vector<1096x84xf32>
    %sub3A_169 = arith.subf %get3A_103, %add3A_150 : vector<1096x84xf32>
    %integer_pow3A_170 = arith.mulf %sub3A_169, %sub3A_169 : vector<1096x84xf32>
    %mul3A_171 = arith.mulf %get3A_123, %integer_pow3A_170 : vector<1096x84xf32>
    %add3A_172 = arith.addf %add3A_168, %mul3A_171 : vector<1096x84xf32>
    %get3A_173 = arith.constant 0 : index
    %get3A_174 = arith.constant 0 : index
    %get3A_175 = vector.load %arg2[%get3A_173, %get3A_174] : memref<1096x16xf32, #tpu.memory_space<vmem>>, vector<1096x16xf32>
    %slice3A = vector.extract_strided_slice %get3A_175 {offsets = [0, 2], sizes = [1096, 14], strides = [1, 1]} : vector<1096x16xf32> to vector<1096x14xf32>
    %slice3A_176 = vector.extract_strided_slice %get3A_175 {offsets = [0, 0], sizes = [1096, 2], strides = [1, 1]} : vector<1096x16xf32> to vector<1096x2xf32>
    %concatenate3A = tpu.concatenate %slice3A, %slice3A_176 in 1 : vector<1096x14xf32>, vector<1096x2xf32> -> vector<1096x16xf32>
    %slice3A_177 = vector.extract_strided_slice %add3A_63 {offsets = [0, 2], sizes = [1096, 14], strides = [1, 1]} : vector<1096x16xf32> to vector<1096x14xf32>
    %slice3A_178 = vector.extract_strided_slice %add3A_63 {offsets = [0, 0], sizes = [1096, 2], strides = [1, 1]} : vector<1096x16xf32> to vector<1096x2xf32>
    %concatenate3A_179 = tpu.concatenate %slice3A_177, %slice3A_178 in 1 : vector<1096x14xf32>, vector<1096x2xf32> -> vector<1096x16xf32>
    %mul3A_180 = arith.constant 2.000000e-01 : f32
    %mul3A_181 = vector.broadcast %mul3A_180 : f32 to vector<1096x16xf32>
    %mul3A_182 = arith.mulf %concatenate3A_179, %mul3A_181 : vector<1096x16xf32>
    %exp3A = math.exp %mul3A_182 : vector<1096x16xf32>
    %mul3A_183 = arith.mulf %concatenate3A, %exp3A : vector<1096x16xf32>
    %mul3A_184 = arith.constant 1.000000e-01 : f32
    %mul3A_185 = vector.broadcast %mul3A_184 : f32 to vector<1096x16xf32>
    %mul3A_186 = arith.mulf %add3A_63, %mul3A_185 : vector<1096x16xf32>
    %mul3A_187 = arith.mulf %mul3A_186, %concatenate3A : vector<1096x16xf32>
    %add3A_188 = arith.addf %get3A_175, %mul3A_187 : vector<1096x16xf32>
    %mul3A_189 = arith.constant 5.000000e-01 : f32
    %mul3A_190 = vector.broadcast %mul3A_189 : f32 to vector<1096x16xf32>
    %mul3A_191 = arith.mulf %mul3A_190, %mul3A_183 : vector<1096x16xf32>
    %sub3A_192 = arith.subf %add3A_188, %mul3A_191 : vector<1096x16xf32>
    %add3A_193 = arith.addf %sub3A_192, %mul3A_183 : vector<1096x16xf32>
    %slice3A_194 = vector.extract_strided_slice %add3A_193 {offsets = [0, 14], sizes = [1096, 2], strides = [1, 1]} : vector<1096x16xf32> to vector<1096x2xf32>
    %slice3A_195 = vector.extract_strided_slice %add3A_193 {offsets = [0, 0], sizes = [1096, 14], strides = [1, 1]} : vector<1096x16xf32> to vector<1096x14xf32>
    %concatenate3A_196 = tpu.concatenate %slice3A_194, %slice3A_195 in 1 : vector<1096x2xf32>, vector<1096x14xf32> -> vector<1096x16xf32>
    %iota3A = tpu.iota {dimensions = array<i32: 1>} : vector<1096x16xi32>
    %jit3A = arith.constant 4 : i32
    %eq3A = arith.constant 0 : i32
    %eq3A_197 = arith.cmpi eq, %jit3A, %eq3A : i32
    %jit3A_198 = arith.constant 1 : i32
    %select_n3A = arith.select %eq3A_197, %jit3A_198, %jit3A : i32
    %rem3A = vector.broadcast %select_n3A : i32 to vector<1096x16xi32>
    %rem3A_199 = arith.remsi %iota3A, %rem3A : vector<1096x16xi32>
    %ne3A = arith.constant 0 : i32
    %ne3A_200 = vector.broadcast %ne3A : i32 to vector<1096x16xi32>
    %ne3A_201 = arith.cmpi ne, %rem3A_199, %ne3A_200 : vector<1096x16xi32>
    %lt3A = arith.constant 0 : i32
    %lt3A_202 = vector.broadcast %lt3A : i32 to vector<1096x16xi32>
    %lt3A_203 = arith.cmpi slt, %rem3A_199, %lt3A_202 : vector<1096x16xi32>
    %lt3A_204 = arith.constant 0 : i32
    %lt3A_205 = arith.cmpi slt, %select_n3A, %lt3A_204 : i32
    %ne3A_206 = vector.broadcast %lt3A_205 : i1 to vector<1096x16xi1>
    %ne3A_207 = vector.broadcast %ne3A_206 : vector<1096x16xi1> to vector<1096x16xi1>
    %ne3A_208 = arith.xori %lt3A_203, %ne3A_207 : vector<1096x16xi1>
    %and3A = arith.andi %ne3A_208, %ne3A_201 : vector<1096x16xi1>
    %add3A_209 = vector.broadcast %select_n3A : i32 to vector<1096x16xi32>
    %add3A_210 = arith.addi %rem3A_199, %add3A_209 : vector<1096x16xi32>
    %select_n3A_211 = arith.select %and3A, %add3A_210, %rem3A_199 : vector<1096x16xi1>, vector<1096x16xi32>
    %lt3A_212 = arith.constant 2 : i32
    %lt3A_213 = vector.broadcast %lt3A_212 : i32 to vector<1096x16xi32>
    %lt3A_214 = arith.cmpi slt, %select_n3A_211, %lt3A_213 : vector<1096x16xi32>
    %select_n3A_215 = arith.select %lt3A_214, %sub3A_192, %concatenate3A_196 : vector<1096x16xi1>, vector<1096x16xf32>
    %slice3A_216 = vector.extract_strided_slice %select_n3A_215 {offsets = [0, 0], sizes = [1096, 4], strides = [1, 1]} : vector<1096x16xf32> to vector<1096x4xf32>
    %swap3A = arith.constant 0 : index
    %swap3A_217 = arith.constant 0 : index
    %swap3A_218 = arith.constant 0 : index
    %swap3A_219 = vector.load %arg27[%swap3A, %swap3A_217, %swap3A_218] : memref<1x1096x300xf32, #tpu.memory_space<vmem>>, vector<1x1096x4xf32>
    %swap3A_220 = vector.shape_cast %swap3A_219 : vector<1x1096x4xf32> to vector<1096x4xf32>
    %swap3A_221 = vector.shape_cast %slice3A_216 : vector<1096x4xf32> to vector<1x1096x4xf32>
    tpu.vector_store %arg27[%swap3A, %swap3A_217, %swap3A_218], %swap3A_221 {strides = array<i32>} : memref<1x1096x300xf32, #tpu.memory_space<vmem>>, vector<1x1096x4xf32>,
    %slice3A_222 = vector.extract_strided_slice %add3A_70 {offsets = [0, 0], sizes = [1096, 4], strides = [1, 1]} : vector<1096x16xf32> to vector<1096x4xf32>
    %swap3A_223 = arith.constant 0 : index
    %swap3A_224 = arith.constant 0 : index
    %swap3A_225 = arith.constant 4 : index
    %swap3A_226 = vector.load %arg27[%swap3A_223, %swap3A_224, %swap3A_225] : memref<1x1096x300xf32, #tpu.memory_space<vmem>>, vector<1x1096x4xf32>
    %swap3A_227 = vector.shape_cast %swap3A_226 : vector<1x1096x4xf32> to vector<1096x4xf32>
    %swap3A_228 = vector.shape_cast %slice3A_222 : vector<1096x4xf32> to vector<1x1096x4xf32>
    tpu.vector_store %arg27[%swap3A_223, %swap3A_224, %swap3A_225], %swap3A_228 {strides = array<i32>} : memref<1x1096x300xf32, #tpu.memory_space<vmem>>, vector<1x1096x4xf32>,
    %slice3A_229 = vector.extract_strided_slice %add3A_83 {offsets = [0, 0], sizes = [1096, 4], strides = [1, 1]} : vector<1096x16xf32> to vector<1096x4xf32>
    %swap3A_230 = arith.constant 0 : index
    %swap3A_231 = arith.constant 0 : index
    %swap3A_232 = arith.constant 8 : index
    %swap3A_233 = vector.load %arg27[%swap3A_230, %swap3A_231, %swap3A_232] : memref<1x1096x300xf32, #tpu.memory_space<vmem>>, vector<1x1096x4xf32>
    %swap3A_234 = vector.shape_cast %swap3A_233 : vector<1x1096x4xf32> to vector<1096x4xf32>
    %swap3A_235 = vector.shape_cast %slice3A_229 : vector<1096x4xf32> to vector<1x1096x4xf32>
    tpu.vector_store %arg27[%swap3A_230, %swap3A_231, %swap3A_232], %swap3A_235 {strides = array<i32>} : memref<1x1096x300xf32, #tpu.memory_space<vmem>>, vector<1x1096x4xf32>,
    %slice3A_236 = vector.extract_strided_slice %add3A_150 {offsets = [0, 0], sizes = [1096, 21], strides = [1, 1]} : vector<1096x84xf32> to vector<1096x21xf32>
    %swap3A_237 = arith.constant 0 : index
    %swap3A_238 = arith.constant 0 : index
    %swap3A_239 = arith.constant 12 : index
    %swap3A_240 = vector.load %arg27[%swap3A_237, %swap3A_238, %swap3A_239] : memref<1x1096x300xf32, #tpu.memory_space<vmem>>, vector<1x1096x21xf32>
    %swap3A_241 = vector.shape_cast %swap3A_240 : vector<1x1096x21xf32> to vector<1096x21xf32>
    %swap3A_242 = vector.shape_cast %slice3A_236 : vector<1096x21xf32> to vector<1x1096x21xf32>
    tpu.vector_store %arg27[%swap3A_237, %swap3A_238, %swap3A_239], %swap3A_242 {strides = array<i32>} : memref<1x1096x300xf32, #tpu.memory_space<vmem>>, vector<1x1096x21xf32>,
    %slice3A_243 = vector.extract_strided_slice %add3A_157 {offsets = [0, 0], sizes = [1096, 21], strides = [1, 1]} : vector<1096x84xf32> to vector<1096x21xf32>
    %swap3A_244 = arith.constant 0 : index
    %swap3A_245 = arith.constant 0 : index
    %swap3A_246 = arith.constant 33 : index
    %swap3A_247 = vector.load %arg27[%swap3A_244, %swap3A_245, %swap3A_246] : memref<1x1096x300xf32, #tpu.memory_space<vmem>>, vector<1x1096x21xf32>
    %swap3A_248 = vector.shape_cast %swap3A_247 : vector<1x1096x21xf32> to vector<1096x21xf32>
    %swap3A_249 = vector.shape_cast %slice3A_243 : vector<1096x21xf32> to vector<1x1096x21xf32>
    tpu.vector_store %arg27[%swap3A_244, %swap3A_245, %swap3A_246], %swap3A_249 {strides = array<i32>} : memref<1x1096x300xf32, #tpu.memory_space<vmem>>, vector<1x1096x21xf32>,
    %slice3A_250 = vector.extract_strided_slice %add3A_172 {offsets = [0, 0], sizes = [1096, 21], strides = [1, 1]} : vector<1096x84xf32> to vector<1096x21xf32>
    %swap3A_251 = arith.constant 0 : index
    %swap3A_252 = arith.constant 0 : index
    %swap3A_253 = arith.constant 54 : index
    %swap3A_254 = vector.load %arg27[%swap3A_251, %swap3A_252, %swap3A_253] : memref<1x1096x300xf32, #tpu.memory_space<vmem>>, vector<1x1096x21xf32>
    %swap3A_255 = vector.shape_cast %swap3A_254 : vector<1x1096x21xf32> to vector<1096x21xf32>
    %swap3A_256 = vector.shape_cast %slice3A_250 : vector<1096x21xf32> to vector<1x1096x21xf32>
    tpu.vector_store %arg27[%swap3A_251, %swap3A_252, %swap3A_253], %swap3A_256 {strides = array<i32>} : memref<1x1096x300xf32, #tpu.memory_space<vmem>>, vector<1x1096x21xf32>,
    %slice3A_257 = vector.extract_strided_slice %select_n3A_215 {offsets = [0, 4], sizes = [1096, 4], strides = [1, 1]} : vector<1096x16xf32> to vector<1096x4xf32>
    %swap3A_258 = arith.constant 0 : index
    %swap3A_259 = arith.constant 0 : index
    %swap3A_260 = arith.constant 75 : index
    %swap3A_261 = vector.load %arg27[%swap3A_258, %swap3A_259, %swap3A_260] : memref<1x1096x300xf32, #tpu.memory_space<vmem>>, vector<1x1096x4xf32>
    %swap3A_262 = vector.shape_cast %swap3A_261 : vector<1x1096x4xf32> to vector<1096x4xf32>
    %swap3A_263 = vector.shape_cast %slice3A_257 : vector<1096x4xf32> to vector<1x1096x4xf32>
    tpu.vector_store %arg27[%swap3A_258, %swap3A_259, %swap3A_260], %swap3A_263 {strides = array<i32>} : memref<1x1096x300xf32, #tpu.memory_space<vmem>>, vector<1x1096x4xf32>,
    %slice3A_264 = vector.extract_strided_slice %add3A_70 {offsets = [0, 4], sizes = [1096, 4], strides = [1, 1]} : vector<1096x16xf32> to vector<1096x4xf32>
    %swap3A_265 = arith.constant 0 : index
    %swap3A_266 = arith.constant 0 : index
    %swap3A_267 = arith.constant 79 : index
    %swap3A_268 = vector.load %arg27[%swap3A_265, %swap3A_266, %swap3A_267] : memref<1x1096x300xf32, #tpu.memory_space<vmem>>, vector<1x1096x4xf32>
    %swap3A_269 = vector.shape_cast %swap3A_268 : vector<1x1096x4xf32> to vector<1096x4xf32>
    %swap3A_270 = vector.shape_cast %slice3A_264 : vector<1096x4xf32> to vector<1x1096x4xf32>
    tpu.vector_store %arg27[%swap3A_265, %swap3A_266, %swap3A_267], %swap3A_270 {strides = array<i32>} : memref<1x1096x300xf32, #tpu.memory_space<vmem>>, vector<1x1096x4xf32>,
    %slice3A_271 = vector.extract_strided_slice %add3A_83 {offsets = [0, 4], sizes = [1096, 4], strides = [1, 1]} : vector<1096x16xf32> to vector<1096x4xf32>
    %swap3A_272 = arith.constant 0 : index
    %swap3A_273 = arith.constant 0 : index
    %swap3A_274 = arith.constant 83 : index
    %swap3A_275 = vector.load %arg27[%swap3A_272, %swap3A_273, %swap3A_274] : memref<1x1096x300xf32, #tpu.memory_space<vmem>>, vector<1x1096x4xf32>
    %swap3A_276 = vector.shape_cast %swap3A_275 : vector<1x1096x4xf32> to vector<1096x4xf32>
    %swap3A_277 = vector.shape_cast %slice3A_271 : vector<1096x4xf32> to vector<1x1096x4xf32>
    tpu.vector_store %arg27[%swap3A_272, %swap3A_273, %swap3A_274], %swap3A_277 {strides = array<i32>} : memref<1x1096x300xf32, #tpu.memory_space<vmem>>, vector<1x1096x4xf32>,
    %slice3A_278 = vector.extract_strided_slice %add3A_150 {offsets = [0, 21], sizes = [1096, 21], strides = [1, 1]} : vector<1096x84xf32> to vector<1096x21xf32>
    %swap3A_279 = arith.constant 0 : index
    %swap3A_280 = arith.constant 0 : index
    %swap3A_281 = arith.constant 87 : index
    %swap3A_282 = vector.load %arg27[%swap3A_279, %swap3A_280, %swap3A_281] : memref<1x1096x300xf32, #tpu.memory_space<vmem>>, vector<1x1096x21xf32>
    %swap3A_283 = vector.shape_cast %swap3A_282 : vector<1x1096x21xf32> to vector<1096x21xf32>
    %swap3A_284 = vector.shape_cast %slice3A_278 : vector<1096x21xf32> to vector<1x1096x21xf32>
    tpu.vector_store %arg27[%swap3A_279, %swap3A_280, %swap3A_281], %swap3A_284 {strides = array<i32>} : memref<1x1096x300xf32, #tpu.memory_space<vmem>>, vector<1x1096x21xf32>,
    %slice3A_285 = vector.extract_strided_slice %add3A_157 {offsets = [0, 21], sizes = [1096, 21], strides = [1, 1]} : vector<1096x84xf32> to vector<1096x21xf32>
    %swap3A_286 = arith.constant 0 : index
    %swap3A_287 = arith.constant 0 : index
    %swap3A_288 = arith.constant 108 : index
    %swap3A_289 = vector.load %arg27[%swap3A_286, %swap3A_287, %swap3A_288] : memref<1x1096x300xf32, #tpu.memory_space<vmem>>, vector<1x1096x21xf32>
    %swap3A_290 = vector.shape_cast %swap3A_289 : vector<1x1096x21xf32> to vector<1096x21xf32>
    %swap3A_291 = vector.shape_cast %slice3A_285 : vector<1096x21xf32> to vector<1x1096x21xf32>
    tpu.vector_store %arg27[%swap3A_286, %swap3A_287, %swap3A_288], %swap3A_291 {strides = array<i32>} : memref<1x1096x300xf32, #tpu.memory_space<vmem>>, vector<1x1096x21xf32>,
    %slice3A_292 = vector.extract_strided_slice %add3A_172 {offsets = [0, 21], sizes = [1096, 21], strides = [1, 1]} : vector<1096x84xf32> to vector<1096x21xf32>
    %swap3A_293 = arith.constant 0 : index
    %swap3A_294 = arith.constant 0 : index
    %swap3A_295 = arith.constant 129 : index
    %swap3A_296 = vector.load %arg27[%swap3A_293, %swap3A_294, %swap3A_295] : memref<1x1096x300xf32, #tpu.memory_space<vmem>>, vector<1x1096x21xf32>
    %swap3A_297 = vector.shape_cast %swap3A_296 : vector<1x1096x21xf32> to vector<1096x21xf32>
    %swap3A_298 = vector.shape_cast %slice3A_292 : vector<1096x21xf32> to vector<1x1096x21xf32>
    tpu.vector_store %arg27[%swap3A_293, %swap3A_294, %swap3A_295], %swap3A_298 {strides = array<i32>} : memref<1x1096x300xf32, #tpu.memory_space<vmem>>, vector<1x1096x21xf32>,
    %slice3A_299 = vector.extract_strided_slice %select_n3A_215 {offsets = [0, 8], sizes = [1096, 4], strides = [1, 1]} : vector<1096x16xf32> to vector<1096x4xf32>
    %swap3A_300 = arith.constant 0 : index
    %swap3A_301 = arith.constant 0 : index
    %swap3A_302 = arith.constant 150 : index
    %swap3A_303 = vector.load %arg27[%swap3A_300, %swap3A_301, %swap3A_302] : memref<1x1096x300xf32, #tpu.memory_space<vmem>>, vector<1x1096x4xf32>
    %swap3A_304 = vector.shape_cast %swap3A_303 : vector<1x1096x4xf32> to vector<1096x4xf32>
    %swap3A_305 = vector.shape_cast %slice3A_299 : vector<1096x4xf32> to vector<1x1096x4xf32>
    tpu.vector_store %arg27[%swap3A_300, %swap3A_301, %swap3A_302], %swap3A_305 {strides = array<i32>} : memref<1x1096x300xf32, #tpu.memory_space<vmem>>, vector<1x1096x4xf32>,
    %slice3A_306 = vector.extract_strided_slice %add3A_70 {offsets = [0, 8], sizes = [1096, 4], strides = [1, 1]} : vector<1096x16xf32> to vector<1096x4xf32>
    %swap3A_307 = arith.constant 0 : index
    %swap3A_308 = arith.constant 0 : index
    %swap3A_309 = arith.constant 154 : index
    %swap3A_310 = vector.load %arg27[%swap3A_307, %swap3A_308, %swap3A_309] : memref<1x1096x300xf32, #tpu.memory_space<vmem>>, vector<1x1096x4xf32>
    %swap3A_311 = vector.shape_cast %swap3A_310 : vector<1x1096x4xf32> to vector<1096x4xf32>
    %swap3A_312 = vector.shape_cast %slice3A_306 : vector<1096x4xf32> to vector<1x1096x4xf32>
    tpu.vector_store %arg27[%swap3A_307, %swap3A_308, %swap3A_309], %swap3A_312 {strides = array<i32>} : memref<1x1096x300xf32, #tpu.memory_space<vmem>>, vector<1x1096x4xf32>,
    %slice3A_313 = vector.extract_strided_slice %add3A_83 {offsets = [0, 8], sizes = [1096, 4], strides = [1, 1]} : vector<1096x16xf32> to vector<1096x4xf32>
    %swap3A_314 = arith.constant 0 : index
    %swap3A_315 = arith.constant 0 : index
    %swap3A_316 = arith.constant 158 : index
    %swap3A_317 = vector.load %arg27[%swap3A_314, %swap3A_315, %swap3A_316] : memref<1x1096x300xf32, #tpu.memory_space<vmem>>, vector<1x1096x4xf32>
    %swap3A_318 = vector.shape_cast %swap3A_317 : vector<1x1096x4xf32> to vector<1096x4xf32>
    %swap3A_319 = vector.shape_cast %slice3A_313 : vector<1096x4xf32> to vector<1x1096x4xf32>
    tpu.vector_store %arg27[%swap3A_314, %swap3A_315, %swap3A_316], %swap3A_319 {strides = array<i32>} : memref<1x1096x300xf32, #tpu.memory_space<vmem>>, vector<1x1096x4xf32>,
    %slice3A_320 = vector.extract_strided_slice %add3A_150 {offsets = [0, 42], sizes = [1096, 21], strides = [1, 1]} : vector<1096x84xf32> to vector<1096x21xf32>
    %swap3A_321 = arith.constant 0 : index
    %swap3A_322 = arith.constant 0 : index
    %swap3A_323 = arith.constant 162 : index
    %swap3A_324 = vector.load %arg27[%swap3A_321, %swap3A_322, %swap3A_323] : memref<1x1096x300xf32, #tpu.memory_space<vmem>>, vector<1x1096x21xf32>
    %swap3A_325 = vector.shape_cast %swap3A_324 : vector<1x1096x21xf32> to vector<1096x21xf32>
    %swap3A_326 = vector.shape_cast %slice3A_320 : vector<1096x21xf32> to vector<1x1096x21xf32>
    tpu.vector_store %arg27[%swap3A_321, %swap3A_322, %swap3A_323], %swap3A_326 {strides = array<i32>} : memref<1x1096x300xf32, #tpu.memory_space<vmem>>, vector<1x1096x21xf32>,
    %slice3A_327 = vector.extract_strided_slice %add3A_157 {offsets = [0, 42], sizes = [1096, 21], strides = [1, 1]} : vector<1096x84xf32> to vector<1096x21xf32>
    %swap3A_328 = arith.constant 0 : index
    %swap3A_329 = arith.constant 0 : index
    %swap3A_330 = arith.constant 183 : index
    %swap3A_331 = vector.load %arg27[%swap3A_328, %swap3A_329, %swap3A_330] : memref<1x1096x300xf32, #tpu.memory_space<vmem>>, vector<1x1096x21xf32>
    %swap3A_332 = vector.shape_cast %swap3A_331 : vector<1x1096x21xf32> to vector<1096x21xf32>
    %swap3A_333 = vector.shape_cast %slice3A_327 : vector<1096x21xf32> to vector<1x1096x21xf32>
    tpu.vector_store %arg27[%swap3A_328, %swap3A_329, %swap3A_330], %swap3A_333 {strides = array<i32>} : memref<1x1096x300xf32, #tpu.memory_space<vmem>>, vector<1x1096x21xf32>,
    %slice3A_334 = vector.extract_strided_slice %add3A_172 {offsets = [0, 42], sizes = [1096, 21], strides = [1, 1]} : vector<1096x84xf32> to vector<1096x21xf32>
    %swap3A_335 = arith.constant 0 : index
    %swap3A_336 = arith.constant 0 : index
    %swap3A_337 = arith.constant 204 : index
    %swap3A_338 = vector.load %arg27[%swap3A_335, %swap3A_336, %swap3A_337] : memref<1x1096x300xf32, #tpu.memory_space<vmem>>, vector<1x1096x21xf32>
    %swap3A_339 = vector.shape_cast %swap3A_338 : vector<1x1096x21xf32> to vector<1096x21xf32>
    %swap3A_340 = vector.shape_cast %slice3A_334 : vector<1096x21xf32> to vector<1x1096x21xf32>
    tpu.vector_store %arg27[%swap3A_335, %swap3A_336, %swap3A_337], %swap3A_340 {strides = array<i32>} : memref<1x1096x300xf32, #tpu.memory_space<vmem>>, vector<1x1096x21xf32>,
    %slice3A_341 = vector.extract_strided_slice %select_n3A_215 {offsets = [0, 12], sizes = [1096, 4], strides = [1, 1]} : vector<1096x16xf32> to vector<1096x4xf32>
    %swap3A_342 = arith.constant 0 : index
    %swap3A_343 = arith.constant 0 : index
    %swap3A_344 = arith.constant 225 : index
    %swap3A_345 = vector.load %arg27[%swap3A_342, %swap3A_343, %swap3A_344] : memref<1x1096x300xf32, #tpu.memory_space<vmem>>, vector<1x1096x4xf32>
    %swap3A_346 = vector.shape_cast %swap3A_345 : vector<1x1096x4xf32> to vector<1096x4xf32>
    %swap3A_347 = vector.shape_cast %slice3A_341 : vector<1096x4xf32> to vector<1x1096x4xf32>
    tpu.vector_store %arg27[%swap3A_342, %swap3A_343, %swap3A_344], %swap3A_347 {strides = array<i32>} : memref<1x1096x300xf32, #tpu.memory_space<vmem>>, vector<1x1096x4xf32>,
    %slice3A_348 = vector.extract_strided_slice %add3A_70 {offsets = [0, 12], sizes = [1096, 4], strides = [1, 1]} : vector<1096x16xf32> to vector<1096x4xf32>
    %swap3A_349 = arith.constant 0 : index
    %swap3A_350 = arith.constant 0 : index
    %swap3A_351 = arith.constant 229 : index
    %swap3A_352 = vector.load %arg27[%swap3A_349, %swap3A_350, %swap3A_351] : memref<1x1096x300xf32, #tpu.memory_space<vmem>>, vector<1x1096x4xf32>
    %swap3A_353 = vector.shape_cast %swap3A_352 : vector<1x1096x4xf32> to vector<1096x4xf32>
    %swap3A_354 = vector.shape_cast %slice3A_348 : vector<1096x4xf32> to vector<1x1096x4xf32>
    tpu.vector_store %arg27[%swap3A_349, %swap3A_350, %swap3A_351], %swap3A_354 {strides = array<i32>} : memref<1x1096x300xf32, #tpu.memory_space<vmem>>, vector<1x1096x4xf32>,
    %slice3A_355 = vector.extract_strided_slice %add3A_83 {offsets = [0, 12], sizes = [1096, 4], strides = [1, 1]} : vector<1096x16xf32> to vector<1096x4xf32>
    %swap3A_356 = arith.constant 0 : index
    %swap3A_357 = arith.constant 0 : index
    %swap3A_358 = arith.constant 233 : index
    %swap3A_359 = vector.load %arg27[%swap3A_356, %swap3A_357, %swap3A_358] : memref<1x1096x300xf32, #tpu.memory_space<vmem>>, vector<1x1096x4xf32>
    %swap3A_360 = vector.shape_cast %swap3A_359 : vector<1x1096x4xf32> to vector<1096x4xf32>
    %swap3A_361 = vector.shape_cast %slice3A_355 : vector<1096x4xf32> to vector<1x1096x4xf32>
    tpu.vector_store %arg27[%swap3A_356, %swap3A_357, %swap3A_358], %swap3A_361 {strides = array<i32>} : memref<1x1096x300xf32, #tpu.memory_space<vmem>>, vector<1x1096x4xf32>,
    %slice3A_362 = vector.extract_strided_slice %add3A_150 {offsets = [0, 63], sizes = [1096, 21], strides = [1, 1]} : vector<1096x84xf32> to vector<1096x21xf32>
    %swap3A_363 = arith.constant 0 : index
    %swap3A_364 = arith.constant 0 : index
    %swap3A_365 = arith.constant 237 : index
    %swap3A_366 = vector.load %arg27[%swap3A_363, %swap3A_364, %swap3A_365] : memref<1x1096x300xf32, #tpu.memory_space<vmem>>, vector<1x1096x21xf32>
    %swap3A_367 = vector.shape_cast %swap3A_366 : vector<1x1096x21xf32> to vector<1096x21xf32>
    %swap3A_368 = vector.shape_cast %slice3A_362 : vector<1096x21xf32> to vector<1x1096x21xf32>
    tpu.vector_store %arg27[%swap3A_363, %swap3A_364, %swap3A_365], %swap3A_368 {strides = array<i32>} : memref<1x1096x300xf32, #tpu.memory_space<vmem>>, vector<1x1096x21xf32>,
    %slice3A_369 = vector.extract_strided_slice %add3A_157 {offsets = [0, 63], sizes = [1096, 21], strides = [1, 1]} : vector<1096x84xf32> to vector<1096x21xf32>
    %swap3A_370 = arith.constant 0 : index
    %swap3A_371 = arith.constant 0 : index
    %swap3A_372 = arith.constant 258 : index
    %swap3A_373 = vector.load %arg27[%swap3A_370, %swap3A_371, %swap3A_372] : memref<1x1096x300xf32, #tpu.memory_space<vmem>>, vector<1x1096x21xf32>
    %swap3A_374 = vector.shape_cast %swap3A_373 : vector<1x1096x21xf32> to vector<1096x21xf32>
    %swap3A_375 = vector.shape_cast %slice3A_369 : vector<1096x21xf32> to vector<1x1096x21xf32>
    tpu.vector_store %arg27[%swap3A_370, %swap3A_371, %swap3A_372], %swap3A_375 {strides = array<i32>} : memref<1x1096x300xf32, #tpu.memory_space<vmem>>, vector<1x1096x21xf32>,
    %slice3A_376 = vector.extract_strided_slice %add3A_172 {offsets = [0, 63], sizes = [1096, 21], strides = [1, 1]} : vector<1096x84xf32> to vector<1096x21xf32>
    %swap3A_377 = arith.constant 0 : index
    %swap3A_378 = arith.constant 0 : index
    %swap3A_379 = arith.constant 279 : index
    %swap3A_380 = vector.load %arg27[%swap3A_377, %swap3A_378, %swap3A_379] : memref<1x1096x300xf32, #tpu.memory_space<vmem>>, vector<1x1096x21xf32>
    %swap3A_381 = vector.shape_cast %swap3A_380 : vector<1x1096x21xf32> to vector<1096x21xf32>
    %swap3A_382 = vector.shape_cast %slice3A_376 : vector<1096x21xf32> to vector<1x1096x21xf32>
    tpu.vector_store %arg27[%swap3A_377, %swap3A_378, %swap3A_379], %swap3A_382 {strides = array<i32>} : memref<1x1096x300xf32, #tpu.memory_space<vmem>>, vector<1x1096x21xf32>,
    return
  }
  func.func @transform_0(%arg0: i32, %arg1: i32) -> (i32, i32) {
    %c0_i32 = arith.constant 0 : i32
    %c0_i32_0 = arith.constant 0 : i32
    return %arg1, %c0_i32 : i32, i32
  }
  func.func @transform_1(%arg0: i32, %arg1: i32) -> (i32, i32, i32) {
    %c0_i32 = arith.constant 0 : i32
    %c0_i32_0 = arith.constant 0 : i32
    return %arg0, %arg1, %c0_i32 : i32, i32, i32
  }
  func.func @transform_2(%arg0: i32, %arg1: i32) -> (i32, i32, i32) {
    %c0_i32 = arith.constant 0 : i32
    %c0_i32_0 = arith.constant 0 : i32
    return %arg0, %arg1, %c0_i32 : i32, i32, i32
  }
  func.func @transform_3(%arg0: i32, %arg1: i32) -> (i32, i32, i32) {
    %c0_i32 = arith.constant 0 : i32
    %c0_i32_0 = arith.constant 0 : i32
    return %arg0, %arg1, %c0_i32 : i32, i32, i32
  }
  func.func @transform_4(%arg0: i32, %arg1: i32) -> (i32, i32, i32) {
    %c0_i32 = arith.constant 0 : i32
    %c0_i32_0 = arith.constant 0 : i32
    return %arg0, %arg1, %c0_i32 : i32, i32, i32
  }
  func.func @transform_5(%arg0: i32, %arg1: i32) -> (i32, i32, i32) {
    %c0_i32 = arith.constant 0 : i32
    %c0_i32_0 = arith.constant 0 : i32
    return %arg0, %arg1, %c0_i32 : i32, i32, i32
  }
  func.func @transform_6(%arg0: i32, %arg1: i32) -> (i32, i32, i32) {
    %c0_i32 = arith.constant 0 : i32
    %c0_i32_0 = arith.constant 0 : i32
    return %arg0, %arg1, %c0_i32 : i32, i32, i32
  }
  func.func @transform_7(%arg0: i32, %arg1: i32) -> (i32, i32, i32) {
    %c0_i32 = arith.constant 0 : i32
    %c0_i32_0 = arith.constant 0 : i32
    return %arg0, %arg1, %c0_i32 : i32, i32, i32
  }
  func.func @transform_8(%arg0: i32, %arg1: i32) -> (i32, i32, i32) {
    %c0_i32 = arith.constant 0 : i32
    %c0_i32_0 = arith.constant 0 : i32
    return %arg0, %arg1, %c0_i32 : i32, i32, i32
  }
  func.func @transform_9(%arg0: i32, %arg1: i32) -> (i32, i32, i32) {
    %c0_i32 = arith.constant 0 : i32
    %c0_i32_0 = arith.constant 0 : i32
    return %arg0, %arg1, %c0_i32 : i32, i32, i32
  }
  func.func @transform_10(%arg0: i32, %arg1: i32) -> (i32, i32, i32) {
    %c0_i32 = arith.constant 0 : i32
    %c0_i32_0 = arith.constant 0 : i32
    return %arg0, %arg1, %c0_i32 : i32, i32, i32
  }
  func.func @transform_11(%arg0: i32, %arg1: i32) -> (i32, i32, i32) {
    %c0_i32 = arith.constant 0 : i32
    %c0_i32_0 = arith.constant 0 : i32
    return %arg0, %arg1, %c0_i32 : i32, i32, i32
  }
  func.func @transform_12(%arg0: i32, %arg1: i32) -> (i32, i32, i32) {
    %c0_i32 = arith.constant 0 : i32
    %c0_i32_0 = arith.constant 0 : i32
    return %arg0, %arg1, %c0_i32 : i32, i32, i32
  }
  func.func @transform_13(%arg0: i32, %arg1: i32) -> (i32, i32, i32) {
    %c0_i32 = arith.constant 0 : i32
    %c0_i32_0 = arith.constant 0 : i32
    return %arg0, %arg1, %c0_i32 : i32, i32, i32
  }
  func.func @transform_14(%arg0: i32, %arg1: i32) -> (i32, i32, i32) {
    %c0_i32 = arith.constant 0 : i32
    %c0_i32_0 = arith.constant 0 : i32
    return %arg0, %arg1, %c0_i32 : i32, i32, i32
  }
  func.func @transform_15(%arg0: i32, %arg1: i32) -> (i32, i32, i32) {
    %c0_i32 = arith.constant 0 : i32
    %c0_i32_0 = arith.constant 0 : i32
    return %arg0, %arg1, %c0_i32 : i32, i32, i32
  }
  func.func @transform_16(%arg0: i32, %arg1: i32) -> (i32, i32, i32) {
    %c0_i32 = arith.constant 0 : i32
    %c0_i32_0 = arith.constant 0 : i32
    return %arg0, %arg1, %c0_i32 : i32, i32, i32
  }
  func.func @transform_17(%arg0: i32, %arg1: i32) -> (i32, i32, i32) {
    %c0_i32 = arith.constant 0 : i32
    %c0_i32_0 = arith.constant 0 : i32
    return %arg0, %arg1, %c0_i32 : i32, i32, i32
  }
  func.func @transform_18(%arg0: i32, %arg1: i32) -> (i32, i32, i32) {
    %c0_i32 = arith.constant 0 : i32
    %c0_i32_0 = arith.constant 0 : i32
    return %arg0, %arg1, %c0_i32 : i32, i32, i32
  }
  func.func @transform_19(%arg0: i32, %arg1: i32) -> (i32, i32, i32) {
    %c0_i32 = arith.constant 0 : i32
    %c0_i32_0 = arith.constant 0 : i32
    return %arg0, %arg1, %c0_i32 : i32, i32, i32
  }
  func.func @transform_20(%arg0: i32, %arg1: i32) -> (i32, i32, i32) {
    %c0_i32 = arith.constant 0 : i32
    %c0_i32_0 = arith.constant 0 : i32
    return %arg0, %arg1, %c0_i32 : i32, i32, i32
  }
  func.func @transform_21(%arg0: i32, %arg1: i32) -> (i32, i32, i32) {
    %c0_i32 = arith.constant 0 : i32
    %c0_i32_0 = arith.constant 0 : i32
    return %arg0, %arg1, %c0_i32 : i32, i32, i32
  }
  func.func @transform_22(%arg0: i32, %arg1: i32) -> (i32, i32, i32) {
    %c0_i32 = arith.constant 0 : i32
    %c0_i32_0 = arith.constant 0 : i32
    return %arg0, %arg1, %c0_i32 : i32, i32, i32
  }
  func.func @transform_23(%arg0: i32, %arg1: i32) -> (i32, i32, i32) {
    %c0_i32 = arith.constant 0 : i32
    %c0_i32_0 = arith.constant 0 : i32
    return %arg0, %arg1, %c0_i32 : i32, i32, i32
  }
  func.func @transform_24(%arg0: i32, %arg1: i32) -> (i32, i32, i32) {
    %c0_i32 = arith.constant 0 : i32
    %c0_i32_0 = arith.constant 0 : i32
    return %arg0, %arg1, %c0_i32 : i32, i32, i32
  }
  func.func @transform_25(%arg0: i32, %arg1: i32) -> (i32, i32, i32) {
    %c0_i32 = arith.constant 0 : i32
    %c0_i32_0 = arith.constant 0 : i32
    return %arg0, %arg1, %c0_i32 : i32, i32, i32
  }
}

</mosaic_0001>

<sc_bundles>
// kernel: sparse-core-data-format-call.cloned.1.call-start
scs
called_computation_lowered:
.L_overlay_start_0:
0x0: {  	s2 =	sld [smem:$0x3FD9]  }
0x1: {  	s3 =	sld [smem:$0x3FFE];
	_ =	sdelay $0x1  }
0x2: {  	s1 =	srdreg.scid  }
0x3: {  	s0 =	sand.u32 $0x1, s1  }
0x4: {  	s18 =	sshll.u32 s0, $0xA;
	s2 =	sadd.s32 s3, s2  }
0x5: {  	s2 =	sadd.s32 s2, s18  }
0x6: {  	[smem:$0x3FAF] =	sst s2  }
0x7: {  	_ = 	snop  }
0x8: {  	s2 =	sld [smem:$0x3FD0];
	(tm) =	ssettm $0x1  }
0x9: {  	s19 =	sld [smem:$0x3FFB];
	_ =	sdelay $0x3  }
0xa: {  	_ =	strace s19  }
0xb: {  	s3 =	sld [smem:$0x3FFC];
	_ =	sdelay $0x3  }
0xc: {  	_ =	strace s3  }
0xd: {  	s3 =	sld [smem:$0x3FFD];
	_ =	sdelay $0x3  }
0xe: {  	_ =	strace s3  }
0xf: {  	_ =	strace $0x8FFFFFFF  }
0x10: {  	s20 =	sld [smem:$0x3FDB];
	_ =	sdelay $0x1  }
0x11: {  	s4 =	simm.s32 $_scs_section_size  }
0x12: {  	s5 =	simm.s32 $_size__tile_overlayer_lowered;
	s6 =	simm.s32 $_tile_overlayer_lowered  }
0x13: {  	s23 =	simm.s32 $0x1BFF;
	s22 =	sshll.u32 s6, $0x1;
	s3 =	sadd.s32 s4, s20  }
0x14: {  	s7 =	simm.s32 $0x0;
	s21 =	sshll.u32 s5, $0x1;
	s5 =	sadd.s32 s22, s3  }
0x15: {  	[timem:s7], [sflag:s23] =	dma.local [hbm:s5], s21  }
0x16: {  	_ =	swait.ge [sflag:s23], s21  }
0x17: {  	s4 =	ssub.s32 $0x0, s21;
	[sflag:s23] =	ssyncset.done $0x0  }
0x18: {  	[sflag:s23] =	ssyncadd.s32 s4;
	_ =	sdelay $0x1  }
0x19: {  	s24 =	simm.s32 $0x1B8B  }
0x1a: {  	_ =	swait.ge [sflag:s24], $0x1  }
0x1b: {  	[sflag:s24] =	ssyncset.done $0x0  }
0x1c: {  	s26 =	simm.s32 $0x1B8E;
	s25 =	sld [smem:$0x3FFE];
	[sflag:s24] =	ssyncadd.s32 $0xFFFFFFFF  }
0x1d: {  	s27 =	simm.s32 $execute0_lowered;
	[smem:$0x3FD2] =	sst s26  }
0x1e: {  	s5 =	sshll.u32 s27, $0x1;
	_ =	strace $0x80000046;
	[dreg:$0x1] =	wrdreg $0xFFFFFFFF  }
0x1f: {  	s28 =	simm.s32 $_size_execute0_lowered;
	s3 =	sadd.s32 s3, s5;
	[dreg:$0x0] =	wrdreg $0x0  }
0x20: {  	s5 =	sshll.u32 s28, $0x1;
	[dreg:$0x2] =	wrdreg s3  }
0x21: {  	[dreg:$0x3] =	wrdreg s5  }
0x22: {  	[dreg:$0x4] =	wrdreg $0xC0  }
0x23: {  	_ =	task [dreg:s7], $0x5FFFF  }
0x24: {  	[dreg:$0x1] =	wrdreg $0xFFFFFFFF  }
0x25: {  	[dreg:$0x0] =	wrdreg $0x60  }
0x26: {  	[dreg:$0x2] =	wrdreg s25  }
0x27: {  	[dreg:$0x3] =	wrdreg s2  }
0x28: {  	[dreg:$0x4] =	wrdreg $0x9  }
0x29: {  	_ =	task.clear_ibuf [dreg:s7], $0x5FFFF;
	_ =	strace $0x90000046  }
0x2a: {  	s29 =	simm.s32 $0x9;
	_ =	strace $0x80000048  }
0x2b: {  	_ =	swait.ge [sflag:s29], $0x1  }
0x2c: {  	[sflag:s29] =	ssyncadd.s32 $0xFFFFFFFF  }
0x2d: {  	_ =	strace $0x90000048  }
0x2e: {  	_ =	sfence  }
0x2f: {  	s30 =	sld [smem:$0x0];
	_ =	sdelay $0x2  }
0x30: {  	s31 =	sshll.u32 s1, $0xD;
	s1 =	sshrl.u32 s1, $0x2  }
0x31: {  	s3 =	sand.u32 $0x4000, s31;
	s1 =	sadd.s32 s1, s30  }
0x32: {  	s0 =	sor.u32 s3, s0;
	s1 =	sshll.u32 s1, $0x11  }
0x33: {  	s0 =	sor.u32 s1, s0  }
0x34: {  	s0 =	sadd.s32 $0x8F2B, s0  }
0x35: {  	[sflag:s0] =	ssyncadd.remote.s32 $0x1  }
0x36: {  	_ =	sfence.sel $0xFFFF  }
0x37: {  	[dreg:$0x0] =	wrdreg $0xFFFFFFFF;
	(pc) =	sbr.abs _section_cstart, $3  }
0x38: {  	[dreg:$0x1] =	wrdreg $0xFFFFFFFF  }
0x39: {  	_ =	task.clear_ibuf [dreg:s7], $0x2FFFF;
	_ =	strace $0x9FFFFFFF  }
0x3a: {  	(tm) =	ssettm $0x7FFFFFFF  }
0x3b: {  	_ =	shalt  }
tec
execute0_lowered:
.L_overlay_start_1:
0x0: {  	(tag) =	ssettag $0x1  }
0x1: {  	s0 =	rddreg [dreg:$0x0];
	_ =	strace $0x80000047;
	s30 =	srdreg.scid  }
0x2: {  	s2 =	stileid.u32;
	s1 =	simm.s32 $0x1;
	s31 =	simm.s32 $0x2  }
.Ltmp0:
0x3: {  	s12 =	simm.s32 $0x0;
	s13 =	simm.s32 $0x0;
	(pc) =	sbr.rel .LBB1_1-.Ltmp0, $4  }
0x4: {  	s8 =	simm.s32 $0x0;
	s3 =	sadd.s32 $0xF600, s0;
	s0 =	sshll.u32 s30, $0x4  }
0x5: {  	s10 =	simm.s32 $0x0;
	s9 =	simm.s32 $0x0;
	s0 =	sand.u32 $0x10, s0  }
0x6: {  	s7 =	simm.s32 $0x0;
	[sflag:s1] =	ssyncpa.u1 $0x0;
	s5 =	sor.u32 s2, s0  }
0x7: {  	s21 =	simm.s32 $0x0;
	[sflag:s31] =	ssyncpa.u1 $0x0;
	s11 =	smov.u32 s5  }
.LBB1_9:
0x8: {  	s0 =	sshrl.u32 s10, $0x3;
	s1 =	sshll.u32 s8, $0x3  }
0x9: {  	s2 =	sshll.u32 s10, $0x7;
	p0 =	sgt.s32 s8, $0x2200;
	s0 =	smul.u32 $0x11400, s0  }
0xa: {  	s1 =	sand.u32 $0xFFFFFC00, s1;
	s27 =	sand.u32 $0x380, s2;
	s2 =	smov.u32 s8  }
0xb: {  	s2 =	simm.s32 @!p0 $0x2200;
	s0 =	sadd.s32 s0, s1  }
0xc: {  	s28 =	sand.u32 $0x7F, s8;
	s2 =	sadd.s32 s15, s2;
	s0 =	sor.u32 s27, s0  }
0xd: {  	s6 =	sadd.s32 $0xFFFFDE00, s2;
	s1 =	sor.u32 s28, s0  }
0xe: {  	s2 =	ssub.s32 $0x2280, s2;
	p0 =	sgt.s32 s6, $0x7F;
	s4 =	smulhi.u32 $0x76B981DB, s1  }
0xf: {  	s0 =	smulhi.u32 $0x76B981DB, s0;
	s2 =	simm.s32 @p0 $0x0  }
0x10: {  	s2 =	smul.u32 s2, s14;
	s4 =	sshrl.u32 s4, $0xC  }
0x11: {  	s4 =	smul.u32 $0x2280, s4  }
0x12: {  	s29 =	rddreg [dreg:$0x1];
	s30 =	sor.u32 $0x8000, s16;
	s0 =	sshrl.u32 s0, $0xC  }
0x13: {  	s0 =	sand.u32 $0x1F, s0;
	s2 =	smul.u32 $0x4B, s2;
	s1 =	ssub.s32 s1, s4  }
0x14: {  	s0 =	smul.u32 $0x450, s0;
	s4 =	sshrl.u32 s1, $0x3;
	s1 =	sand.u32 $0x7, s1  }
0x15: {  	s31 =	simm.s32 $0x45000;
	s4 =	sadd.s32 s29, s4;
	s1 =	sshll.u32 s1, $0x12  }
0x16: {  	s2 =	sand.u32 $0x3FFFFFFF, s2;
	s0 =	sadd.s32 s0, s4;
	s1 =	sor.u32 $0x80, s1  }
0x17: {  	[hbm4b:s0+s1] =	stream.strided.scatter [tilespmem:s30], [sflag:$0x2], s2, s31, s1, $0x20;
	[tilespmem:$0x10100] =	vst v63  }
.LBB1_10:
0x18: {  	p0 =	slt.u32 s7, $0x2  }
0x19: {  	s1 =	smov.u32 s13;
	s2 =	smov.u32 s12;
	p1 =	sgt.s32 @!p0 s13, $0x1F  }
0x1a: {  	s0 =	sshra.s32 @!p0 s13, $0x1F;
	p2 =	sgt.s32 @!p0 s12, $0x2200;
	s4 =	sshra.s32 @!p0 s12, $0x1F  }
0x1b: {  	p1 =	por !p1, p0;
	s0 =	sand.u32 @!p0 s0, s13;
	p2 =	por !p2, p0  }
0x1c: {  	s4 =	sand.u32 @!p0 s4, s12;
	s1 =	simm.s32 @p1 $0x1F;
	s2 =	simm.s32 @p2 $0x2200  }
0x1d: {  	s0 =	ssub.s32 @!p0 s1, s0;
	s1 =	ssub.s32 @!p0 s2, s4  }
0x1e: {  	s2 =	sadd.s32 @!p0 $0xFFFFFFE1, s0;
	s0 =	ssub.s32 @!p0 $0x20, s0;
	s4 =	sadd.s32 @!p0 $0xFFFFDE00, s1  }
0x1f: {  	p1 =	sgt.s32 @!p0 s2, $0x0;
	s0 =	smul.u32 @!p0 $0x4B, s0;
	p2 =	sgt.s32 @!p0 s4, $0x7F  }
0x20: {  	s1 =	ssub.s32 @!p0 $0x2280, s1;
	p1 =	por !p1, p0;
	p2 =	por !p2, p0  }
0x21: {  	s0 =	simm.s32 @!p1 $0x0;
	s1 =	simm.s32 @!p2 $0x0  }
0x22: {  	s0 =	smul.u32 @!p0 s1, s0;
	s1 =	sadd.s32 $0x80, s9  }
0x23: {  	s6 =	smov.u32 s11;
	s4 =	sadd.s32 $0x20, s11;
	p1 =	sgt.s32 s1, $0x221B  }
0x24: {  	s6 =	smov.u32 @p1 s4  }
0x25: {  	s7 =	sadd.s32 $0x1, s7;
	s1 =	simm.s32 @p1 $0x0;
	p1 =	sgt.s32 s6, $0x1F  }
0x26: {  	s6 =	smov.u32 @p1 s5;
	p1 =	sne.s32 s7, $0x47  }
.Ltmp1:
0x27: {  	_ = 	snop;
	(pc) =	sbr.rel @!p1 .LBB1_11-.Ltmp1, $4  }
0x28: {  	s12 =	smov.u32 s8;
	s2 =	simm.s32 @!p0 $0x2;
	s0 =	sand.u32 @!p0 $0x3FFFFFFF, s0  }
0x29: {  	s13 =	smov.u32 s10;
	s8 =	smov.u32 s9;
	_ =	swait.ge @!p0 [sflag:s2], s0  }
0x2a: {  	s10 =	smov.u32 s11;
	s0 =	ssub.s32 @!p0 $0x0, s0;
	[sflag:s2] =	ssyncset.done @!p0 $0x0  }
0x2b: {  	s9 =	smov.u32 s1;
	[sflag:s2] =	ssyncadd.s32 @!p0 s0;
	s11 =	smov.u32 s6  }
.LBB1_1:
0x2c: {  	p0 =	sgt.u32 s7, $0x44;
	s1 =	smov.u32 s11  }
0x2d: {  	s15 =	smov.u32 s9;
	p1 =	sgt.s32 @!p0 s11, $0x1F;
	s0 =	sand.u32 @!p0 $0x1FFFFFF, s9  }
0x2e: {  	s14 =	sshra.s32 @!p0 s11, $0x1F;
	s16 =	sshra.s32 @!p0 s9, $0x1F;
	p1 =	por !p1, p0  }
0x2f: {  	s2 =	smulhi.u32 @!p0 $0xF00F01, s0;
	s1 =	simm.s32 @p1 $0x1F;
	p1 =	sgt.s32 @!p0 s9, $0x21A0  }
0x30: {  	s14 =	sand.u32 @!p0 s14, s11;
	s16 =	sand.u32 @!p0 s16, s9;
	p1 =	por !p1, p0  }
0x31: {  	s1 =	ssub.s32 @!p0 s1, s14;
	s2 =	sshrl.u32 @!p0 s2, $0x5;
	s15 =	simm.s32 @p1 $0x21A0  }
0x32: {  	s1 =	sadd.s32 @!p0 $0xFFFFFFE1, s1;
	s2 =	smul.u32 @!p0 $0x2220, s2;
	s14 =	ssub.s32 @!p0 s15, s16  }
0x33: {  	p1 =	sgt.s32 @!p0 s1, $0x0;
	s1 =	sshll.u32 @!p0 s1, $0x7;
	s15 =	sadd.s32 @!p0 $0xFFFFDE60, s14  }
0x34: {  	s16 =	smul.u32 @!p0 $0x22200, s11;
	s14 =	ssub.s32 @!p0 $0x2220, s14;
	p2 =	sgt.s32 @!p0 s15, $0x7F  }
0x35: {  	s1 =	ssub.s32 @!p0 $0x80, s1;
	p1 =	por !p1, p0;
	p2 =	por !p2, p0  }
0x36: {  	s15 =	sxor.u32 @!p0 $0xFFFFFFFF, s7;
	s1 =	simm.s32 @!p1 $0x0;
	s14 =	simm.s32 @!p2 $0x0  }
0x37: {  	s0 =	ssub.s32 @!p0 s0, s2;
	s2 =	sshll.u32 @!p0 s15, $0xE;
	s1 =	smul.u32 @!p0 s14, s1  }
0x38: {  	s0 =	sshll.u32 @!p0 s0, $0x4;
	s2 =	sand.u32 @!p0 $0x4000, s2;
	s14 =	sadd.s32 @!p0 s3, s16  }
0x39: {  	s0 =	sadd.s32 @!p0 s0, s14;
	s14 =	simm.s32 @!p0 $0x0;
	s1 =	sand.u32 @!p0 $0x3FFFFF80, s1  }
0x3a: {  	[tilespmem:s2], [sflag:$0x1] =	stream.linear.gather @!p0 [hbm4b:s0+s14], s1, $0x38;
	[tilespmem:$0x10100] =	vst v63  }
0x3b: {  	p0 =	seq.s32 s7, $0x0  }
0x3c: {  	p1 =	seq.s32 @!p0 s7, $0x46  }
0x3d: {  	p0 =	por p0, p1  }
.Ltmp2:
0x3e: {  	_ = 	snop;
	(pc) =	sbr.rel @p0 .LBB1_10-.Ltmp2, $1  }
0x3f: {  	_ =	sdelay $0x3  }
0x40: {  	p0 =	sgt.s32 s10, $0x1F  }
0x41: {  	s0 =	smov.u32 s10;
	s1 =	sshra.s32 s10, $0x1F;
	s2 =	ssub.s32 $0x0, s8  }
0x42: {  	s14 =	sshra.s32 s8, $0x1F;
	s0 =	simm.s32 @!p0 $0x1F;
	s1 =	sand.u32 s1, s10  }
0x43: {  	s16 =	smov.u32 s8;
	p0 =	sgt.s32 s8, $0x21A0;
	s0 =	ssub.s32 s0, s1  }
0x44: {  	s15 =	sand.u32 s2, s14;
	s16 =	simm.s32 @!p0 $0x21A0;
	s1 =	sadd.s32 $0xFFFFFFE1, s0  }
0x45: {  	s2 =	sadd.s32 s15, s16;
	s14 =	ssub.s32 $0x20, s0;
	p0 =	sgt.s32 s1, $0x0  }
0x46: {  	s29 =	sadd.s32 $0xFFFFDE60, s2;
	s0 =	ssub.s32 $0x2220, s2;
	s1 =	sadd.s32 $0x1, s10  }
0x47: {  	s2 =	sadd.s32 $0x80, s8;
	s14 =	simm.s32 @p0 $0x0;
	p0 =	slt.s32 s1, $0x20  }
0x48: {  	s1 =	simm.s32 @!p0 $0x20;
	p0 =	slt.s32 s2, $0x221C  }
0x49: {  	p1 =	sgt.s32 s29, $0x7F;
	s17 =	ssub.s32 s1, s10;
	s2 =	simm.s32 @!p0 $0x221C  }
0x4a: {  	s0 =	simm.s32 @p1 $0x0;
	s18 =	ssub.s32 s2, s8;
	p0 =	slt.s32 s17, $0x1  }
0x4b: {  	s0 =	smul.u32 s0, s14;
	p1 =	slt.s32 @!p0 s18, $0x1  }
0x4c: {  	p1 =	por p0, p1  }
.Ltmp3:
0x4d: {  	s0 =	sshll.u32 s0, $0x7;
	(pc) =	sbr.rel @p1 .LBB1_9-.Ltmp3, $4  }
0x4e: {  	s31 =	simm.s32 $0x1;
	s30 =	sand.u32 $0x3FFFFF80, s0  }
0x4f: {  	_ =	swait.ge [sflag:s31], s30  }
0x50: {  	s0 =	sand.u32 $0x1, s7;
	s1 =	ssub.s32 $0x0, s30;
	[sflag:s31] =	ssyncset.done $0x0  }
0x51: {  	s16 =	smul.u32 $0x4080, s0;
	[sflag:s31] =	ssyncadd.s32 s1  }
0x52: {  	_ = 	snop  }
0x53: {  	s19 =	sshll.u32 @!p0 s0, $0xE;
	s22 =	simm.s32 $0x0;
	s20 =	sor.u32 @!p0 $0x8000, s16  }
.LBB1_4:
0x54: {  	s0 =	sand.u32 $0x7, s22;
	s1 =	sshll.u32 s22, $0x10  }
0x55: {  	p1 =	sne.s32 s18, $0x1;
	s0 =	smul.u32 $0x204, s0;
	s1 =	sshra.s32 s1, $0x2  }
.Ltmp4:
0x56: {  	s31 =	sadd.s32 s1, s19;
	(pc) =	sbr.rel @!p1 .LBB1_5-.Ltmp4, $4  }
0x57: {  	s0 =	sshrl.u32 s0, $0x2;
	v0 =	vmov s31  }
0x58: {  	s29 =	simm.s32 $0x1;
	s24 =	sadd.s32 s0, s20  }
0x59: {  	s28 =	sand.u32 $0x3F80, s21;
	p0 =	por $0x0, $0x0;
	s23 =	sadd.s32 $0x810, s24  }
0x5a: {  	s25 =	sadd.s32 $0x1020, s24;
	s26 =	sadd.s32 $0x1830, s24;
	s27 =	sadd.s32 $0x2040, s24  }
0x5b: {  	_ =	sdelay $0x2  }
0x5c: {  	p1 =	sne.s32 s18, $0x2  }
.Ltmp5:
0x5d: {  	v1 =	vld.idx.msk [tilespmem:v0+s28+$0x40 ss:$0x1], $0xffff;
	(pc) =	sbr.rel @!p1 .LBB1_8-.Ltmp5, $4  }
0x5e: {  	v3 =	vld.idx.msk [tilespmem:v0+s28+$0x30 ss:$0x1], $0xffff  }
0x5f: {  	v4 =	vld.idx.msk [tilespmem:v0+s28+$0x0 ss:$0x1], $0xffff;
	s31 =	simm.s32 $0x2  }
0x60: {  	v2 =	vld.idx.msk [tilespmem:v0+s28+$0x20 ss:$0x1], $0xffff;
	s0 =	simm.s32 $0x80;
	s30 =	sand.u32 $0x7F, s21;
	p0 =	por $0x1, $0x1  }
0x61: {  	v5 =	vld.idx.msk [tilespmem:v0+s28+$0x10 ss:$0x1], $0xffff;
	s28 =	sand.u32 $0x3F80, s0;
	s1 =	sadd.s32 s30, s26;
	s2 =	sadd.s32 s30, s27  }
.LBB1_7:
0x62: {  	[tilespmem:s2+$0x0 ss:$0x81] =	vst.msk $0xffff, v1;
	s2 =	smov.u32 s31;
	s31 =	sadd.s32 $0x1, s31  }
0x63: {  	v1 =	vld.idx.msk [tilespmem:v0+s28+$0x40 ss:$0x1], $0xffff;
	p1 =	sne.s32 s18, s31  }
.Ltmp6:
0x64: {  	s6 =	sadd.s32 s30, s24;
	s4 =	sadd.s32 s30, s25;
	[tilespmem:s1+$0x0 ss:$0x81] =	vst.msk $0xffff, v3;
	v3 =	vld.idx.msk [tilespmem:v0+s28+$0x30 ss:$0x1], $0xffff;
	(pc) =	sbr.rel @p1 .LBB1_7-.Ltmp6, $4  }
0x65: {  	s1 =	sadd.s32 s30, s23;
	[tilespmem:s6+$0x0 ss:$0x81] =	vst.msk $0xffff, v4;
	v4 =	vld.idx.msk [tilespmem:v0+s28+$0x0 ss:$0x1], $0xffff  }
0x66: {  	[tilespmem:s4+$0x0 ss:$0x81] =	vst.msk $0xffff, v2;
	v2 =	vld.idx.msk [tilespmem:v0+s28+$0x20 ss:$0x1], $0xffff  }
0x67: {  	s0 =	sadd.s32 $0x80, s0;
	s30 =	sand.u32 $0x7F, s29;
	s29 =	smov.u32 s2;
	[tilespmem:s1+$0x0 ss:$0x81] =	vst.msk $0xffff, v5;
	v5 =	vld.idx.msk [tilespmem:v0+s28+$0x10 ss:$0x1], $0xffff  }
0x68: {  	s2 =	sadd.s32 s30, s27;
	s28 =	sand.u32 $0x3F80, s0;
	s1 =	sadd.s32 s30, s26  }
.LBB1_8:
0x69: {  	_ =	sdelay $0x3  }
0x6a: {  	v6 =	vld.idx.msk [tilespmem:v0+s28+$0x40 ss:$0x1], $0xffff;
	[tilespmem:s2+$0x0 ss:$0x81] =	vst.msk @p0 $0xffff, v1  }
0x6b: {  	v60 =	vld.idx.msk [tilespmem:v0+s28+$0x30 ss:$0x1], $0xffff;
	s0 =	sadd.s32 @p0 s30, s24;
	[tilespmem:s1+$0x0 ss:$0x81] =	vst.msk @p0 $0xffff, v3  }
0x6c: {  	v61 =	vld.idx.msk [tilespmem:v0+s28+$0x0 ss:$0x1], $0xffff;
	s1 =	sadd.s32 @p0 s30, s25;
	[tilespmem:s0+$0x0 ss:$0x81] =	vst.msk @p0 $0xffff, v4  }
0x6d: {  	v62 =	vld.idx.msk [tilespmem:v0+s28+$0x20 ss:$0x1], $0xffff;
	s6 =	sand.u32 $0x7F, s29;
	s22 =	sadd.s32 $0x1, s22;
	s0 =	sadd.s32 @p0 s30, s23;
	[tilespmem:s1+$0x0 ss:$0x81] =	vst.msk @p0 $0xffff, v2  }
0x6e: {  	v63 =	vld.idx.msk [tilespmem:v0+s28+$0x10 ss:$0x1], $0xffff;
	s27 =	sadd.s32 s6, s27;
	[tilespmem:s0+$0x0 ss:$0x81] =	vst.msk @p0 $0xffff, v5;
	p0 =	sne.s32 s22, s17  }
.Ltmp7:
0x6f: {  	s28 =	sadd.s32 s6, s26;
	[tilespmem:s27+$0x0 ss:$0x81] =	vst.msk $0xffff, v6;
	(pc) =	sbr.rel @p0 .LBB1_4-.Ltmp7, $4  }
.Ltmp8:
0x70: {  	s29 =	sadd.s32 s6, s24;
	[tilespmem:s28+$0x0 ss:$0x81] =	vst.msk $0xffff, v60;
	(pc) =	sbr.rel @!p0 .LBB1_9-.Ltmp8, $4  }
0x71: {  	s30 =	sadd.s32 s6, s25;
	[tilespmem:s29+$0x0 ss:$0x81] =	vst.msk $0xffff, v61  }
0x72: {  	s31 =	sadd.s32 s6, s23;
	[tilespmem:s30+$0x0 ss:$0x81] =	vst.msk $0xffff, v62  }
0x73: {  	[tilespmem:s31+$0x0 ss:$0x81] =	vst.msk $0xffff, v63  }
0x74: {  	_ = 	snop  }
.LBB1_5:
.Ltmp9:
0x75: {  	(pc) =	sbr.rel .LBB1_8-.Ltmp9, $2  }
0x76: {  	_ =	sdelay $0x2  }
0x77: {  	s29 =	simm.s32 $0x0  }
.LBB1_11:
0x78: {  	_ =	sfence.sel $0x180000  }
0x79: {  	s0 =	simm.s32 $0x1;
	[bflag:$0x0] =	sbarrier.arrive $0xFFFF  }
0x7a: {  	s30 =	simm.s32 $0x2;
	[sflag:s0] =	ssyncpa.u1 $0x1  }
0x7b: {  	[sflag:s30] =	ssyncpa.u1 $0x1  }
0x7c: {  	_ =	strace $0x90000047  }
0x7d: {  	s31 =	stileid.u32;
	[bflag:$0x2] =	sbarrier.arrive $0xFFFF  }
0x7e: {  	p0 =	sne.s32 s31, $0x0;
	s0 =	rddreg [dreg:$0x2]  }
0x7f: {  	s0 =	sadd.s32 @!p0 $0x100000, s0  }
0x80: {  	[sflag:s0] =	ssyncadd.tile.s32 @!p0 $0x1;
	_ =	shalt  }
.Lfunc_end1:
_tile_overlayer_lowered:
.L_overlay_start_2:
0x81: {  	(tag) =	ssettag $0x2  }
0x82: {  	s0 =	rddreg [dreg:$0x0];
	s2 =	stileid.u32  }
0x83: {  	s1 =	rddreg [dreg:$0x1];
	p0 =	sne.s32 s2, $0x0  }
0x84: {  	s3 =	rddreg [dreg:$0x2];
	[bflag:$0x3] =	sbarrier.arrive $0xFFFF;
	s2 =	simm.s32 @!p0 $0x1C01  }
0x85: {  	[timem:s3], [sflag:s2] =	dma.local @!p0 [hbm:s0], s1  }
0x86: {  	s0 =	simm.s32 @!p0 $0x1  }
0x87: {  	_ =	swait.ge @!p0 [sflag:s0], s1  }
0x88: {  	s1 =	ssub.s32 @!p0 $0x0, s1;
	[sflag:s0] =	ssyncset.done @!p0 $0x0  }
0x89: {  	[sflag:s0] =	ssyncadd.s32 @!p0 s1  }
0x8a: {  	[bflag:$0x3] =	sbarrier.arrive $0xFFFF  }
0x8b: {  	_ =	shalt  }

</sc_bundles>
